<compile_context>
chip_gen: v7x
topology: tpu7x:2x2x1
jax: 0.10.2.dev20260603
libtpu: 0.0.44.dev20260713+nightly
codegen_flags: <defaults>
</compile_context>

<pallas_src>
import jax
import jax.numpy as jnp
from jax import lax
from jax.experimental import pallas as pl
from jax.experimental.pallas import tpu as pltpu
from jax.experimental.pallas import tpu_sc as plsc

_L = 16
_NC = 2
_NS = 16
_NW = _NC * _NS
_NPAD = 10240
_UNROLL = 8


def _sc_hist_body(idx0_hbm, idx1_hbm, out_hbm, idx0_v, idx1_v, h0_v, h1_v,
                  sem0, sem1, osem):
    wid = lax.axis_index("s") * _NC + lax.axis_index("c")
    per_w = idx0_hbm.shape[0] // _NW
    base = wid * per_w

    cp0 = pltpu.async_copy(idx0_hbm.at[pl.ds(base, per_w)], idx0_v, sem0)
    cp1 = pltpu.async_copy(idx1_hbm.at[pl.ds(base, per_w)], idx1_v, sem1)

    z = jnp.zeros((_L,), jnp.float32)

    def zero_body(i, c):
        for u in range(_UNROLL):
            h0_v[pl.ds((i * _UNROLL + u) * _L, _L)] = z
            h1_v[pl.ds((i * _UNROLL + u) * _L, _L)] = z
        return c

    lax.fori_loop(0, _NPAD // (_L * _UNROLL), zero_body, 0)

    ones = jnp.ones((_L,), jnp.float32)
    n_full = per_w // _L
    rem = per_w - n_full * _L
    n_unrolled = n_full // _UNROLL

    def scatter_all(idx_v, h_v):
        def body(i, c):
            for u in range(_UNROLL):
                idx = idx_v[pl.ds((i * _UNROLL + u) * _L, _L)]
                plsc.addupdate_scatter(h_v, [idx], ones)
            return c

        lax.fori_loop(0, n_unrolled, body, 0)
        for j in range(n_unrolled * _UNROLL, n_full):
            idx = idx_v[pl.ds(j * _L, _L)]
            plsc.addupdate_scatter(h_v, [idx], ones)
        if rem:
            idx = idx_v[pl.ds(per_w - _L, _L)]
            mask = lax.iota(jnp.int32, _L) >= (_L - rem)
            plsc.addupdate_scatter(h_v, [idx], ones, mask=mask)

    cp0.wait()
    scatter_all(idx0_v, h0_v)
    ocp = pltpu.async_copy(h0_v, out_hbm.at[0, wid], osem)
    cp1.wait()
    scatter_all(idx1_v, h1_v)
    ocp.wait()
    pltpu.sync_copy(h1_v, out_hbm.at[1, wid])


def _sc_histogram(idx0, idx1):
    per_w = idx0.shape[0] // _NW
    mesh = plsc.VectorSubcoreMesh(core_axis_name="c", subcore_axis_name="s")
    return pl.kernel(
        _sc_hist_body,
        mesh=mesh,
        out_type=jax.ShapeDtypeStruct((2, _NW, _NPAD), jnp.float32),
        scratch_types=[
            pltpu.VMEM((per_w,), jnp.int32),
            pltpu.VMEM((per_w,), jnp.int32),
            pltpu.VMEM((_NPAD,), jnp.float32),
            pltpu.VMEM((_NPAD,), jnp.float32),
            pltpu.SemaphoreType.DMA,
            pltpu.SemaphoreType.DMA,
            pltpu.SemaphoreType.DMA,
        ],
        compiler_params=pltpu.CompilerParams(needs_layout_passes=False),
    )(idx0, idx1)


def _tc_body(cnt_ref, emb_ref, w0_ref, w1_ref, wu_ref, b0_ref, b1_ref,
             bu_ref, out_ref):
    f32 = jnp.float32
    e = emb_ref[...]
    d = e.shape[1]
    wub = wu_ref[d:]
    hi = jax.lax.Precision.HIGHEST
    a0 = wub + jnp.dot(w0_ref[...], wub, precision=hi, preferred_element_type=f32)
    a1 = wub + jnp.dot(w1_ref[...], wub, precision=hi, preferred_element_type=f32)
    y0 = jnp.dot(e, a0, preferred_element_type=f32) \
        + jnp.dot(b0_ref[...], wub, preferred_element_type=f32)
    y1 = jnp.dot(e, a1, preferred_element_type=f32) \
        + jnp.dot(b1_ref[...], wub, preferred_element_type=f32)
    cnt = cnt_ref[...]
    c0 = jnp.sum(cnt[:_NW], axis=0)[:, None]
    c1 = jnp.sum(cnt[_NW:], axis=0)[:, None]
    h = (jnp.dot(e, wu_ref[:d], preferred_element_type=f32)
         + c0 * y0 + c1 * y1 + bu_ref[...])
    out_ref[...] = jnp.maximum(h, 0.0)


def kernel(node_embeddings, rel0_indices, rel1_indices,
           W_msg_0, b_msg_0, W_msg_1, b_msg_1, W_upd, b_upd):
    n, d = node_embeddings.shape
    idx0 = rel0_indices.astype(jnp.int32)
    idx1 = rel1_indices.astype(jnp.int32)

    counts = _sc_histogram(idx0, idx1).reshape(2 * _NW, _NPAD)

    blk = 2560
    grid = (n + blk - 1) // blk
    return pl.pallas_call(
        _tc_body,
        grid=(grid,),
        in_specs=[
            pl.BlockSpec((2 * _NW, blk), lambda i: (0, i)),
            pl.BlockSpec((blk, d), lambda i: (i, 0)),
            pl.BlockSpec((d, d), lambda i: (0, 0)),
            pl.BlockSpec((d, d), lambda i: (0, 0)),
            pl.BlockSpec((2 * d, d), lambda i: (0, 0)),
            pl.BlockSpec((1, d), lambda i: (0, 0)),
            pl.BlockSpec((1, d), lambda i: (0, 0)),
            pl.BlockSpec((1, d), lambda i: (0, 0)),
        ],
        out_specs=pl.BlockSpec((blk, d), lambda i: (i, 0)),
        out_shape=jax.ShapeDtypeStruct((n, d), jnp.float32),
    )(counts, node_embeddings, W_msg_0, W_msg_1, W_upd,
      b_msg_0.reshape(1, d), b_msg_1.reshape(1, d), b_upd.reshape(1, d))

# --- scband reference (transcript-rebuilt; emitter-appended) ---
"""Pipeline reference for scband-relational-message-passing-module-85727547228489 (READ-ONLY COPY).

The authoritative reference and input builder live on the scoring server;
editing this copy changes nothing except your own understanding.
"""

import jax, jax.numpy as jnp
import numpy as np

N_NODES = 10000
D = 128
N_IDX = 160000


def setup_inputs(seed: int = 0) -> dict:
    key = jax.random.key(seed)
    k = jax.random.split(key, 10)
    node_embeddings = jax.random.normal(k[0], (N_NODES, D), dtype=jnp.float32)
    rel0_indices = jax.random.randint(k[1], (N_IDX,), 0, N_NODES, dtype=jnp.int64) if jax.config.jax_enable_x64 else jax.random.randint(k[1], (N_IDX,), 0, N_NODES, dtype=jnp.int32)
    rel1_indices = jax.random.randint(k[2], (N_IDX,), 0, N_NODES, dtype=rel0_indices.dtype)
    # per-relation message-function linear params
    W_msg_0 = jax.random.normal(k[3], (D, D), dtype=jnp.float32) * 0.05
    b_msg_0 = jnp.zeros((D,), dtype=jnp.float32)
    W_msg_1 = jax.random.normal(k[4], (D, D), dtype=jnp.float32) * 0.05
    b_msg_1 = jnp.zeros((D,), dtype=jnp.float32)
    # update-function params: concat([node, aggregated]) -> D, relu
    W_upd = jax.random.normal(k[5], (2 * D, D), dtype=jnp.float32) * 0.05
    b_upd = jnp.zeros((D,), dtype=jnp.float32)
    return {
        "node_embeddings": node_embeddings,
        "rel0_indices": rel0_indices,
        "rel1_indices": rel1_indices,
        "W_msg_0": W_msg_0,
        "b_msg_0": b_msg_0,
        "W_msg_1": W_msg_1,
        "b_msg_1": b_msg_1,
        "W_upd": W_upd,
        "b_upd": b_upd,
    }


def reference(node_embeddings, rel0_indices, rel1_indices,
              W_msg_0, b_msg_0, W_msg_1, b_msg_1, W_upd, b_upd):
    messages_list = []
    indices_list = []
    for idx, W, b in ((rel0_indices, W_msg_0, b_msg_0),
                      (rel1_indices, W_msg_1, b_msg_1)):
        # gather argument embeddings for this relation
        arg_emb = jnp.take(node_embeddings, idx, axis=0)
        # per-relation message function (linear)
        msg = arg_emb @ W + b
        # residual as in torch: argument_embeddings + messages, view(-1, D)
        out_msg = (arg_emb + msg).reshape(-1, node_embeddings.shape[-1])
        messages_list.append(out_msg)
        indices_list.append(idx)
    messages = jnp.concatenate(messages_list, axis=0)
    indices = jnp.concatenate(indices_list, axis=0)
    # sum aggregation: scatter-add messages onto nodes
    aggregated = jnp.zeros_like(node_embeddings).at[indices].add(messages)
    # update function: concat + linear + relu
    h = jnp.concatenate([node_embeddings, aggregated], axis=-1)
    return jax.nn.relu(h @ W_upd + b_upd)

if __name__ == "__main__":
    import jax
    _d = setup_inputs()
    print(jax.jit(kernel)(*tuple(_d.values())))

</pallas_src>

<mosaic_0001>
#map = affine_map<(d0, d1) -> (0)>
#map1 = affine_map<(d0, d1) -> (0, 0, 0)>
module attributes {stable_mosaic.version = 14 : i64} {
  func.func @_sc_hist_body(%arg0: i32, %arg1: i32, %arg2: memref<160000xi32, #tpu.memory_space<hbm>>, %arg3: memref<160000xi32, #tpu.memory_space<hbm>>, %arg4: memref<2x32x10240xf32, #tpu.memory_space<hbm>>, %arg5: memref<5000xi32, #tpu.memory_space<vmem>>, %arg6: memref<5000xi32, #tpu.memory_space<vmem>>, %arg7: memref<10240xf32, #tpu.memory_space<vmem>>, %arg8: memref<10240xf32, #tpu.memory_space<vmem>>, %arg9: memref<!tpu.dma_semaphore, #tpu.memory_space<semaphore_mem>>, %arg10: memref<!tpu.dma_semaphore, #tpu.memory_space<semaphore_mem>>, %arg11: memref<!tpu.dma_semaphore, #tpu.memory_space<semaphore_mem>>) attributes {dimension_semantics = [#tpu.dimension_semantics<core_parallel>, #tpu.dimension_semantics<subcore_parallel>], iteration_bounds = array<i64: 2, 16>, scalar_prefetch = 0 : i64, scratch_operands = 7 : i64, tpu.core_type = #tpu.core_type<sc_vector_subcore>, window_params = [{transform_indices = #map}, {transform_indices = #map}, {transform_indices = #map1}]} {
    %mul3A = arith.constant 2 : i32
    %mul3A_0 = arith.muli %arg1, %mul3A : i32
    %add3A = arith.addi %mul3A_0, %arg0 : i32
    %mul3A_1 = arith.constant 5000 : i32
    %mul3A_2 = arith.muli %add3A, %mul3A_1 : i32
    %dma_start3A = tpu.memref_slice %arg2[%mul3A_2] : memref<160000xi32, #tpu.memory_space<hbm>> -> memref<5000xi32, #tpu.memory_space<hbm>>
    %dma_start3A_3 = tpu.memref_slice %arg2[%mul3A_2] : memref<160000xi32, #tpu.memory_space<hbm>> -> memref<5000xi32, #tpu.memory_space<hbm>>
    tpu.enqueue_dma source(%dma_start3A_3 : memref<5000xi32, #tpu.memory_space<hbm>>) target(%arg5 : memref<5000xi32, #tpu.memory_space<vmem>>) target_semaphore(%arg9 : memref<!tpu.dma_semaphore, #tpu.memory_space<semaphore_mem>>)
    %dma_start3A_4 = tpu.memref_slice %arg3[%mul3A_2] : memref<160000xi32, #tpu.memory_space<hbm>> -> memref<5000xi32, #tpu.memory_space<hbm>>
    %dma_start3A_5 = tpu.memref_slice %arg3[%mul3A_2] : memref<160000xi32, #tpu.memory_space<hbm>> -> memref<5000xi32, #tpu.memory_space<hbm>>
    tpu.enqueue_dma source(%dma_start3A_5 : memref<5000xi32, #tpu.memory_space<hbm>>) target(%arg6 : memref<5000xi32, #tpu.memory_space<vmem>>) target_semaphore(%arg10 : memref<!tpu.dma_semaphore, #tpu.memory_space<semaphore_mem>>)
    %broadcast_in_dim3A = arith.constant 0.000000e+00 : f32
    %broadcast_in_dim3A_6 = vector.broadcast %broadcast_in_dim3A : f32 to vector<16xf32>
    %scan3A = arith.constant 0 : i32
    %scan3A_7 = arith.constant 0 : i32
    %scan3A_8 = arith.constant 80 : i32
    %scan3A_9 = arith.addi %scan3A_7, %scan3A_8 : i32
    %scan3A_10 = arith.constant 1 : i32
    scf.for %scan3A_52 = %scan3A_7 to %scan3A_9 step %scan3A_10  : i32 {
      %mul3A_53 = arith.constant 8 : i32
      %mul3A_54 = arith.muli %scan3A_52, %mul3A_53 : i32
      %add3A_55 = arith.constant 0 : i32
      %add3A_56 = arith.addi %mul3A_54, %add3A_55 : i32
      %mul3A_57 = arith.constant 16 : i32
      %mul3A_58 = arith.muli %add3A_56, %mul3A_57 : i32
      %swap3A = arith.index_cast %mul3A_58 : i32 to index
      %swap3A_59 = tpu.vector_load %arg7[%swap3A] {strides = array<i32>} : memref<10240xf32, #tpu.memory_space<vmem>>, vector<16xf32>,
      tpu.vector_store %arg7[%swap3A], %broadcast_in_dim3A_6 {strides = array<i32>} : memref<10240xf32, #tpu.memory_space<vmem>>, vector<16xf32>,
      %mul3A_60 = arith.constant 8 : i32
      %mul3A_61 = arith.muli %scan3A_52, %mul3A_60 : i32
      %add3A_62 = arith.constant 0 : i32
      %add3A_63 = arith.addi %mul3A_61, %add3A_62 : i32
      %mul3A_64 = arith.constant 16 : i32
      %mul3A_65 = arith.muli %add3A_63, %mul3A_64 : i32
      %swap3A_66 = arith.index_cast %mul3A_65 : i32 to index
      %swap3A_67 = tpu.vector_load %arg8[%swap3A_66] {strides = array<i32>} : memref<10240xf32, #tpu.memory_space<vmem>>, vector<16xf32>,
      tpu.vector_store %arg8[%swap3A_66], %broadcast_in_dim3A_6 {strides = array<i32>} : memref<10240xf32, #tpu.memory_space<vmem>>, vector<16xf32>,
      %mul3A_68 = arith.constant 8 : i32
      %mul3A_69 = arith.muli %scan3A_52, %mul3A_68 : i32
      %add3A_70 = arith.constant 1 : i32
      %add3A_71 = arith.addi %mul3A_69, %add3A_70 : i32
      %mul3A_72 = arith.constant 16 : i32
      %mul3A_73 = arith.muli %add3A_71, %mul3A_72 : i32
      %swap3A_74 = arith.index_cast %mul3A_73 : i32 to index
      %swap3A_75 = tpu.vector_load %arg7[%swap3A_74] {strides = array<i32>} : memref<10240xf32, #tpu.memory_space<vmem>>, vector<16xf32>,
      tpu.vector_store %arg7[%swap3A_74], %broadcast_in_dim3A_6 {strides = array<i32>} : memref<10240xf32, #tpu.memory_space<vmem>>, vector<16xf32>,
      %mul3A_76 = arith.constant 8 : i32
      %mul3A_77 = arith.muli %scan3A_52, %mul3A_76 : i32
      %add3A_78 = arith.constant 1 : i32
      %add3A_79 = arith.addi %mul3A_77, %add3A_78 : i32
      %mul3A_80 = arith.constant 16 : i32
      %mul3A_81 = arith.muli %add3A_79, %mul3A_80 : i32
      %swap3A_82 = arith.index_cast %mul3A_81 : i32 to index
      %swap3A_83 = tpu.vector_load %arg8[%swap3A_82] {strides = array<i32>} : memref<10240xf32, #tpu.memory_space<vmem>>, vector<16xf32>,
      tpu.vector_store %arg8[%swap3A_82], %broadcast_in_dim3A_6 {strides = array<i32>} : memref<10240xf32, #tpu.memory_space<vmem>>, vector<16xf32>,
      %mul3A_84 = arith.constant 8 : i32
      %mul3A_85 = arith.muli %scan3A_52, %mul3A_84 : i32
      %add3A_86 = arith.constant 2 : i32
      %add3A_87 = arith.addi %mul3A_85, %add3A_86 : i32
      %mul3A_88 = arith.constant 16 : i32
      %mul3A_89 = arith.muli %add3A_87, %mul3A_88 : i32
      %swap3A_90 = arith.index_cast %mul3A_89 : i32 to index
      %swap3A_91 = tpu.vector_load %arg7[%swap3A_90] {strides = array<i32>} : memref<10240xf32, #tpu.memory_space<vmem>>, vector<16xf32>,
      tpu.vector_store %arg7[%swap3A_90], %broadcast_in_dim3A_6 {strides = array<i32>} : memref<10240xf32, #tpu.memory_space<vmem>>, vector<16xf32>,
      %mul3A_92 = arith.constant 8 : i32
      %mul3A_93 = arith.muli %scan3A_52, %mul3A_92 : i32
      %add3A_94 = arith.constant 2 : i32
      %add3A_95 = arith.addi %mul3A_93, %add3A_94 : i32
      %mul3A_96 = arith.constant 16 : i32
      %mul3A_97 = arith.muli %add3A_95, %mul3A_96 : i32
      %swap3A_98 = arith.index_cast %mul3A_97 : i32 to index
      %swap3A_99 = tpu.vector_load %arg8[%swap3A_98] {strides = array<i32>} : memref<10240xf32, #tpu.memory_space<vmem>>, vector<16xf32>,
      tpu.vector_store %arg8[%swap3A_98], %broadcast_in_dim3A_6 {strides = array<i32>} : memref<10240xf32, #tpu.memory_space<vmem>>, vector<16xf32>,
      %mul3A_100 = arith.constant 8 : i32
      %mul3A_101 = arith.muli %scan3A_52, %mul3A_100 : i32
      %add3A_102 = arith.constant 3 : i32
      %add3A_103 = arith.addi %mul3A_101, %add3A_102 : i32
      %mul3A_104 = arith.constant 16 : i32
      %mul3A_105 = arith.muli %add3A_103, %mul3A_104 : i32
      %swap3A_106 = arith.index_cast %mul3A_105 : i32 to index
      %swap3A_107 = tpu.vector_load %arg7[%swap3A_106] {strides = array<i32>} : memref<10240xf32, #tpu.memory_space<vmem>>, vector<16xf32>,
      tpu.vector_store %arg7[%swap3A_106], %broadcast_in_dim3A_6 {strides = array<i32>} : memref<10240xf32, #tpu.memory_space<vmem>>, vector<16xf32>,
      %mul3A_108 = arith.constant 8 : i32
      %mul3A_109 = arith.muli %scan3A_52, %mul3A_108 : i32
      %add3A_110 = arith.constant 3 : i32
      %add3A_111 = arith.addi %mul3A_109, %add3A_110 : i32
      %mul3A_112 = arith.constant 16 : i32
      %mul3A_113 = arith.muli %add3A_111, %mul3A_112 : i32
      %swap3A_114 = arith.index_cast %mul3A_113 : i32 to index
      %swap3A_115 = tpu.vector_load %arg8[%swap3A_114] {strides = array<i32>} : memref<10240xf32, #tpu.memory_space<vmem>>, vector<16xf32>,
      tpu.vector_store %arg8[%swap3A_114], %broadcast_in_dim3A_6 {strides = array<i32>} : memref<10240xf32, #tpu.memory_space<vmem>>, vector<16xf32>,
      %mul3A_116 = arith.constant 8 : i32
      %mul3A_117 = arith.muli %scan3A_52, %mul3A_116 : i32
      %add3A_118 = arith.constant 4 : i32
      %add3A_119 = arith.addi %mul3A_117, %add3A_118 : i32
      %mul3A_120 = arith.constant 16 : i32
      %mul3A_121 = arith.muli %add3A_119, %mul3A_120 : i32
      %swap3A_122 = arith.index_cast %mul3A_121 : i32 to index
      %swap3A_123 = tpu.vector_load %arg7[%swap3A_122] {strides = array<i32>} : memref<10240xf32, #tpu.memory_space<vmem>>, vector<16xf32>,
      tpu.vector_store %arg7[%swap3A_122], %broadcast_in_dim3A_6 {strides = array<i32>} : memref<10240xf32, #tpu.memory_space<vmem>>, vector<16xf32>,
      %mul3A_124 = arith.constant 8 : i32
      %mul3A_125 = arith.muli %scan3A_52, %mul3A_124 : i32
      %add3A_126 = arith.constant 4 : i32
      %add3A_127 = arith.addi %mul3A_125, %add3A_126 : i32
      %mul3A_128 = arith.constant 16 : i32
      %mul3A_129 = arith.muli %add3A_127, %mul3A_128 : i32
      %swap3A_130 = arith.index_cast %mul3A_129 : i32 to index
      %swap3A_131 = tpu.vector_load %arg8[%swap3A_130] {strides = array<i32>} : memref<10240xf32, #tpu.memory_space<vmem>>, vector<16xf32>,
      tpu.vector_store %arg8[%swap3A_130], %broadcast_in_dim3A_6 {strides = array<i32>} : memref<10240xf32, #tpu.memory_space<vmem>>, vector<16xf32>,
      %mul3A_132 = arith.constant 8 : i32
      %mul3A_133 = arith.muli %scan3A_52, %mul3A_132 : i32
      %add3A_134 = arith.constant 5 : i32
      %add3A_135 = arith.addi %mul3A_133, %add3A_134 : i32
      %mul3A_136 = arith.constant 16 : i32
      %mul3A_137 = arith.muli %add3A_135, %mul3A_136 : i32
      %swap3A_138 = arith.index_cast %mul3A_137 : i32 to index
      %swap3A_139 = tpu.vector_load %arg7[%swap3A_138] {strides = array<i32>} : memref<10240xf32, #tpu.memory_space<vmem>>, vector<16xf32>,
      tpu.vector_store %arg7[%swap3A_138], %broadcast_in_dim3A_6 {strides = array<i32>} : memref<10240xf32, #tpu.memory_space<vmem>>, vector<16xf32>,
      %mul3A_140 = arith.constant 8 : i32
      %mul3A_141 = arith.muli %scan3A_52, %mul3A_140 : i32
      %add3A_142 = arith.constant 5 : i32
      %add3A_143 = arith.addi %mul3A_141, %add3A_142 : i32
      %mul3A_144 = arith.constant 16 : i32
      %mul3A_145 = arith.muli %add3A_143, %mul3A_144 : i32
      %swap3A_146 = arith.index_cast %mul3A_145 : i32 to index
      %swap3A_147 = tpu.vector_load %arg8[%swap3A_146] {strides = array<i32>} : memref<10240xf32, #tpu.memory_space<vmem>>, vector<16xf32>,
      tpu.vector_store %arg8[%swap3A_146], %broadcast_in_dim3A_6 {strides = array<i32>} : memref<10240xf32, #tpu.memory_space<vmem>>, vector<16xf32>,
      %mul3A_148 = arith.constant 8 : i32
      %mul3A_149 = arith.muli %scan3A_52, %mul3A_148 : i32
      %add3A_150 = arith.constant 6 : i32
      %add3A_151 = arith.addi %mul3A_149, %add3A_150 : i32
      %mul3A_152 = arith.constant 16 : i32
      %mul3A_153 = arith.muli %add3A_151, %mul3A_152 : i32
      %swap3A_154 = arith.index_cast %mul3A_153 : i32 to index
      %swap3A_155 = tpu.vector_load %arg7[%swap3A_154] {strides = array<i32>} : memref<10240xf32, #tpu.memory_space<vmem>>, vector<16xf32>,
      tpu.vector_store %arg7[%swap3A_154], %broadcast_in_dim3A_6 {strides = array<i32>} : memref<10240xf32, #tpu.memory_space<vmem>>, vector<16xf32>,
      %mul3A_156 = arith.constant 8 : i32
      %mul3A_157 = arith.muli %scan3A_52, %mul3A_156 : i32
      %add3A_158 = arith.constant 6 : i32
      %add3A_159 = arith.addi %mul3A_157, %add3A_158 : i32
      %mul3A_160 = arith.constant 16 : i32
      %mul3A_161 = arith.muli %add3A_159, %mul3A_160 : i32
      %swap3A_162 = arith.index_cast %mul3A_161 : i32 to index
      %swap3A_163 = tpu.vector_load %arg8[%swap3A_162] {strides = array<i32>} : memref<10240xf32, #tpu.memory_space<vmem>>, vector<16xf32>,
      tpu.vector_store %arg8[%swap3A_162], %broadcast_in_dim3A_6 {strides = array<i32>} : memref<10240xf32, #tpu.memory_space<vmem>>, vector<16xf32>,
      %mul3A_164 = arith.constant 8 : i32
      %mul3A_165 = arith.muli %scan3A_52, %mul3A_164 : i32
      %add3A_166 = arith.constant 7 : i32
      %add3A_167 = arith.addi %mul3A_165, %add3A_166 : i32
      %mul3A_168 = arith.constant 16 : i32
      %mul3A_169 = arith.muli %add3A_167, %mul3A_168 : i32
      %swap3A_170 = arith.index_cast %mul3A_169 : i32 to index
      %swap3A_171 = tpu.vector_load %arg7[%swap3A_170] {strides = array<i32>} : memref<10240xf32, #tpu.memory_space<vmem>>, vector<16xf32>,
      tpu.vector_store %arg7[%swap3A_170], %broadcast_in_dim3A_6 {strides = array<i32>} : memref<10240xf32, #tpu.memory_space<vmem>>, vector<16xf32>,
      %mul3A_172 = arith.constant 8 : i32
      %mul3A_173 = arith.muli %scan3A_52, %mul3A_172 : i32
      %add3A_174 = arith.constant 7 : i32
      %add3A_175 = arith.addi %mul3A_173, %add3A_174 : i32
      %mul3A_176 = arith.constant 16 : i32
      %mul3A_177 = arith.muli %add3A_175, %mul3A_176 : i32
      %swap3A_178 = arith.index_cast %mul3A_177 : i32 to index
      %swap3A_179 = tpu.vector_load %arg8[%swap3A_178] {strides = array<i32>} : memref<10240xf32, #tpu.memory_space<vmem>>, vector<16xf32>,
      tpu.vector_store %arg8[%swap3A_178], %broadcast_in_dim3A_6 {strides = array<i32>} : memref<10240xf32, #tpu.memory_space<vmem>>, vector<16xf32>,
    }
    %scan3A_11 = arith.constant 80 : i32
    %broadcast_in_dim3A_12 = arith.constant 1.000000e+00 : f32
    %broadcast_in_dim3A_13 = vector.broadcast %broadcast_in_dim3A_12 : f32 to vector<16xf32>
    %dma_wait3A = tpu.memref_slice %arg2[%mul3A_2] : memref<160000xi32, #tpu.memory_space<hbm>> -> memref<5000xi32, #tpu.memory_space<hbm>>
    %dma_wait3A_14 = tpu.memref_slice %arg2[%mul3A_2] : memref<160000xi32, #tpu.memory_space<hbm>> -> memref<5000xi32, #tpu.memory_space<hbm>>
    tpu.wait_dma2 semaphore(%arg9 : memref<!tpu.dma_semaphore, #tpu.memory_space<semaphore_mem>>) src(%dma_wait3A_14 : memref<5000xi32, #tpu.memory_space<hbm>>) dst(%arg5 : memref<5000xi32, #tpu.memory_space<vmem>>)
    %scan3A_15 = arith.constant 0 : i32
    %scan3A_16 = arith.constant 0 : i32
    %scan3A_17 = arith.constant 39 : i32
    %scan3A_18 = arith.addi %scan3A_16, %scan3A_17 : i32
    %scan3A_19 = arith.constant 1 : i32
    scf.for %scan3A_52 = %scan3A_16 to %scan3A_18 step %scan3A_19  : i32 {
      %mul3A_53 = arith.constant 8 : i32
      %mul3A_54 = arith.muli %scan3A_52, %mul3A_53 : i32
      %add3A_55 = arith.constant 0 : i32
      %add3A_56 = arith.addi %mul3A_54, %add3A_55 : i32
      %mul3A_57 = arith.constant 16 : i32
      %mul3A_58 = arith.muli %add3A_56, %mul3A_57 : i32
      %get3A_59 = arith.index_cast %mul3A_58 : i32 to index
      %get3A_60 = tpu.vector_load %arg5[%get3A_59] {strides = array<i32>} : memref<5000xi32, #tpu.memory_space<vmem>>, vector<16xi32>,
      tpu.vector_store_idx %arg7[%get3A_60], %broadcast_in_dim3A_13 {add = true} : memref<10240xf32, #tpu.memory_space<vmem>>[vector<16xi32>], vector<16xf32>,
      %mul3A_61 = arith.constant 8 : i32
      %mul3A_62 = arith.muli %scan3A_52, %mul3A_61 : i32
      %add3A_63 = arith.constant 1 : i32
      %add3A_64 = arith.addi %mul3A_62, %add3A_63 : i32
      %mul3A_65 = arith.constant 16 : i32
      %mul3A_66 = arith.muli %add3A_64, %mul3A_65 : i32
      %get3A_67 = arith.index_cast %mul3A_66 : i32 to index
      %get3A_68 = tpu.vector_load %arg5[%get3A_67] {strides = array<i32>} : memref<5000xi32, #tpu.memory_space<vmem>>, vector<16xi32>,
      tpu.vector_store_idx %arg7[%get3A_68], %broadcast_in_dim3A_13 {add = true} : memref<10240xf32, #tpu.memory_space<vmem>>[vector<16xi32>], vector<16xf32>,
      %mul3A_69 = arith.constant 8 : i32
      %mul3A_70 = arith.muli %scan3A_52, %mul3A_69 : i32
      %add3A_71 = arith.constant 2 : i32
      %add3A_72 = arith.addi %mul3A_70, %add3A_71 : i32
      %mul3A_73 = arith.constant 16 : i32
      %mul3A_74 = arith.muli %add3A_72, %mul3A_73 : i32
      %get3A_75 = arith.index_cast %mul3A_74 : i32 to index
      %get3A_76 = tpu.vector_load %arg5[%get3A_75] {strides = array<i32>} : memref<5000xi32, #tpu.memory_space<vmem>>, vector<16xi32>,
      tpu.vector_store_idx %arg7[%get3A_76], %broadcast_in_dim3A_13 {add = true} : memref<10240xf32, #tpu.memory_space<vmem>>[vector<16xi32>], vector<16xf32>,
      %mul3A_77 = arith.constant 8 : i32
      %mul3A_78 = arith.muli %scan3A_52, %mul3A_77 : i32
      %add3A_79 = arith.constant 3 : i32
      %add3A_80 = arith.addi %mul3A_78, %add3A_79 : i32
      %mul3A_81 = arith.constant 16 : i32
      %mul3A_82 = arith.muli %add3A_80, %mul3A_81 : i32
      %get3A_83 = arith.index_cast %mul3A_82 : i32 to index
      %get3A_84 = tpu.vector_load %arg5[%get3A_83] {strides = array<i32>} : memref<5000xi32, #tpu.memory_space<vmem>>, vector<16xi32>,
      tpu.vector_store_idx %arg7[%get3A_84], %broadcast_in_dim3A_13 {add = true} : memref<10240xf32, #tpu.memory_space<vmem>>[vector<16xi32>], vector<16xf32>,
      %mul3A_85 = arith.constant 8 : i32
      %mul3A_86 = arith.muli %scan3A_52, %mul3A_85 : i32
      %add3A_87 = arith.constant 4 : i32
      %add3A_88 = arith.addi %mul3A_86, %add3A_87 : i32
      %mul3A_89 = arith.constant 16 : i32
      %mul3A_90 = arith.muli %add3A_88, %mul3A_89 : i32
      %get3A_91 = arith.index_cast %mul3A_90 : i32 to index
      %get3A_92 = tpu.vector_load %arg5[%get3A_91] {strides = array<i32>} : memref<5000xi32, #tpu.memory_space<vmem>>, vector<16xi32>,
      tpu.vector_store_idx %arg7[%get3A_92], %broadcast_in_dim3A_13 {add = true} : memref<10240xf32, #tpu.memory_space<vmem>>[vector<16xi32>], vector<16xf32>,
      %mul3A_93 = arith.constant 8 : i32
      %mul3A_94 = arith.muli %scan3A_52, %mul3A_93 : i32
      %add3A_95 = arith.constant 5 : i32
      %add3A_96 = arith.addi %mul3A_94, %add3A_95 : i32
      %mul3A_97 = arith.constant 16 : i32
      %mul3A_98 = arith.muli %add3A_96, %mul3A_97 : i32
      %get3A_99 = arith.index_cast %mul3A_98 : i32 to index
      %get3A_100 = tpu.vector_load %arg5[%get3A_99] {strides = array<i32>} : memref<5000xi32, #tpu.memory_space<vmem>>, vector<16xi32>,
      tpu.vector_store_idx %arg7[%get3A_100], %broadcast_in_dim3A_13 {add = true} : memref<10240xf32, #tpu.memory_space<vmem>>[vector<16xi32>], vector<16xf32>,
      %mul3A_101 = arith.constant 8 : i32
      %mul3A_102 = arith.muli %scan3A_52, %mul3A_101 : i32
      %add3A_103 = arith.constant 6 : i32
      %add3A_104 = arith.addi %mul3A_102, %add3A_103 : i32
      %mul3A_105 = arith.constant 16 : i32
      %mul3A_106 = arith.muli %add3A_104, %mul3A_105 : i32
      %get3A_107 = arith.index_cast %mul3A_106 : i32 to index
      %get3A_108 = tpu.vector_load %arg5[%get3A_107] {strides = array<i32>} : memref<5000xi32, #tpu.memory_space<vmem>>, vector<16xi32>,
      tpu.vector_store_idx %arg7[%get3A_108], %broadcast_in_dim3A_13 {add = true} : memref<10240xf32, #tpu.memory_space<vmem>>[vector<16xi32>], vector<16xf32>,
      %mul3A_109 = arith.constant 8 : i32
      %mul3A_110 = arith.muli %scan3A_52, %mul3A_109 : i32
      %add3A_111 = arith.constant 7 : i32
      %add3A_112 = arith.addi %mul3A_110, %add3A_111 : i32
      %mul3A_113 = arith.constant 16 : i32
      %mul3A_114 = arith.muli %add3A_112, %mul3A_113 : i32
      %get3A_115 = arith.index_cast %mul3A_114 : i32 to index
      %get3A_116 = tpu.vector_load %arg5[%get3A_115] {strides = array<i32>} : memref<5000xi32, #tpu.memory_space<vmem>>, vector<16xi32>,
      tpu.vector_store_idx %arg7[%get3A_116], %broadcast_in_dim3A_13 {add = true} : memref<10240xf32, #tpu.memory_space<vmem>>[vector<16xi32>], vector<16xf32>,
    }
    %scan3A_20 = arith.constant 39 : i32
    %get3A = arith.constant 4984 : index
    %get3A_21 = tpu.vector_load %arg5[%get3A] {strides = array<i32>} : memref<5000xi32, #tpu.memory_space<vmem>>, vector<16xi32>,
    %iota3A = tpu.iota {dimensions = array<i32: 0>} : vector<16xi32>
    %ge3A = arith.constant 8 : i32
    %ge3A_22 = vector.broadcast %ge3A : i32 to vector<16xi32>
    %ge3A_23 = arith.cmpi sge, %iota3A, %ge3A_22 : vector<16xi32>
    tpu.vector_store_idx %arg7[%get3A_21], %broadcast_in_dim3A_13 masked %ge3A_23 {add = true} : memref<10240xf32, #tpu.memory_space<vmem>>[vector<16xi32>], vector<16xf32>, vector<16xi1>
    %dma_start3A_24 = arith.constant 0 : i32
    %dma_start3A_25 = arith.constant 0 : i32
    %dma_start3A_26 = tpu.memref_slice %arg4[%dma_start3A_24, %add3A, %dma_start3A_25] : memref<2x32x10240xf32, #tpu.memory_space<hbm>> -> memref<1x1x10240xf32, #tpu.memory_space<hbm>>
    %dma_start3A_27 = tpu.memref_squeeze %dma_start3A_26 : memref<1x1x10240xf32, #tpu.memory_space<hbm>> -> memref<10240xf32, #tpu.memory_space<hbm>>
    %dma_start3A_28 = arith.constant 0 : i32
    %dma_start3A_29 = tpu.memref_slice %arg4[%dma_start3A_24, %add3A, %dma_start3A_28] : memref<2x32x10240xf32, #tpu.memory_space<hbm>> -> memref<1x1x10240xf32, #tpu.memory_space<hbm>>
    %dma_start3A_30 = tpu.memref_squeeze %dma_start3A_29 : memref<1x1x10240xf32, #tpu.memory_space<hbm>> -> memref<10240xf32, #tpu.memory_space<hbm>>
    tpu.enqueue_dma source(%arg7 : memref<10240xf32, #tpu.memory_space<vmem>>) target(%dma_start3A_30 : memref<10240xf32, #tpu.memory_space<hbm>>) target_semaphore(%arg11 : memref<!tpu.dma_semaphore, #tpu.memory_space<semaphore_mem>>)
    %dma_wait3A_31 = tpu.memref_slice %arg3[%mul3A_2] : memref<160000xi32, #tpu.memory_space<hbm>> -> memref<5000xi32, #tpu.memory_space<hbm>>
    %dma_wait3A_32 = tpu.memref_slice %arg3[%mul3A_2] : memref<160000xi32, #tpu.memory_space<hbm>> -> memref<5000xi32, #tpu.memory_space<hbm>>
    tpu.wait_dma2 semaphore(%arg10 : memref<!tpu.dma_semaphore, #tpu.memory_space<semaphore_mem>>) src(%dma_wait3A_32 : memref<5000xi32, #tpu.memory_space<hbm>>) dst(%arg6 : memref<5000xi32, #tpu.memory_space<vmem>>)
    %scan3A_33 = arith.constant 0 : i32
    %scan3A_34 = arith.constant 0 : i32
    %scan3A_35 = arith.constant 39 : i32
    %scan3A_36 = arith.addi %scan3A_34, %scan3A_35 : i32
    %scan3A_37 = arith.constant 1 : i32
    scf.for %scan3A_52 = %scan3A_34 to %scan3A_36 step %scan3A_37  : i32 {
      %mul3A_53 = arith.constant 8 : i32
      %mul3A_54 = arith.muli %scan3A_52, %mul3A_53 : i32
      %add3A_55 = arith.constant 0 : i32
      %add3A_56 = arith.addi %mul3A_54, %add3A_55 : i32
      %mul3A_57 = arith.constant 16 : i32
      %mul3A_58 = arith.muli %add3A_56, %mul3A_57 : i32
      %get3A_59 = arith.index_cast %mul3A_58 : i32 to index
      %get3A_60 = tpu.vector_load %arg6[%get3A_59] {strides = array<i32>} : memref<5000xi32, #tpu.memory_space<vmem>>, vector<16xi32>,
      tpu.vector_store_idx %arg8[%get3A_60], %broadcast_in_dim3A_13 {add = true} : memref<10240xf32, #tpu.memory_space<vmem>>[vector<16xi32>], vector<16xf32>,
      %mul3A_61 = arith.constant 8 : i32
      %mul3A_62 = arith.muli %scan3A_52, %mul3A_61 : i32
      %add3A_63 = arith.constant 1 : i32
      %add3A_64 = arith.addi %mul3A_62, %add3A_63 : i32
      %mul3A_65 = arith.constant 16 : i32
      %mul3A_66 = arith.muli %add3A_64, %mul3A_65 : i32
      %get3A_67 = arith.index_cast %mul3A_66 : i32 to index
      %get3A_68 = tpu.vector_load %arg6[%get3A_67] {strides = array<i32>} : memref<5000xi32, #tpu.memory_space<vmem>>, vector<16xi32>,
      tpu.vector_store_idx %arg8[%get3A_68], %broadcast_in_dim3A_13 {add = true} : memref<10240xf32, #tpu.memory_space<vmem>>[vector<16xi32>], vector<16xf32>,
      %mul3A_69 = arith.constant 8 : i32
      %mul3A_70 = arith.muli %scan3A_52, %mul3A_69 : i32
      %add3A_71 = arith.constant 2 : i32
      %add3A_72 = arith.addi %mul3A_70, %add3A_71 : i32
      %mul3A_73 = arith.constant 16 : i32
      %mul3A_74 = arith.muli %add3A_72, %mul3A_73 : i32
      %get3A_75 = arith.index_cast %mul3A_74 : i32 to index
      %get3A_76 = tpu.vector_load %arg6[%get3A_75] {strides = array<i32>} : memref<5000xi32, #tpu.memory_space<vmem>>, vector<16xi32>,
      tpu.vector_store_idx %arg8[%get3A_76], %broadcast_in_dim3A_13 {add = true} : memref<10240xf32, #tpu.memory_space<vmem>>[vector<16xi32>], vector<16xf32>,
      %mul3A_77 = arith.constant 8 : i32
      %mul3A_78 = arith.muli %scan3A_52, %mul3A_77 : i32
      %add3A_79 = arith.constant 3 : i32
      %add3A_80 = arith.addi %mul3A_78, %add3A_79 : i32
      %mul3A_81 = arith.constant 16 : i32
      %mul3A_82 = arith.muli %add3A_80, %mul3A_81 : i32
      %get3A_83 = arith.index_cast %mul3A_82 : i32 to index
      %get3A_84 = tpu.vector_load %arg6[%get3A_83] {strides = array<i32>} : memref<5000xi32, #tpu.memory_space<vmem>>, vector<16xi32>,
      tpu.vector_store_idx %arg8[%get3A_84], %broadcast_in_dim3A_13 {add = true} : memref<10240xf32, #tpu.memory_space<vmem>>[vector<16xi32>], vector<16xf32>,
      %mul3A_85 = arith.constant 8 : i32
      %mul3A_86 = arith.muli %scan3A_52, %mul3A_85 : i32
      %add3A_87 = arith.constant 4 : i32
      %add3A_88 = arith.addi %mul3A_86, %add3A_87 : i32
      %mul3A_89 = arith.constant 16 : i32
      %mul3A_90 = arith.muli %add3A_88, %mul3A_89 : i32
      %get3A_91 = arith.index_cast %mul3A_90 : i32 to index
      %get3A_92 = tpu.vector_load %arg6[%get3A_91] {strides = array<i32>} : memref<5000xi32, #tpu.memory_space<vmem>>, vector<16xi32>,
      tpu.vector_store_idx %arg8[%get3A_92], %broadcast_in_dim3A_13 {add = true} : memref<10240xf32, #tpu.memory_space<vmem>>[vector<16xi32>], vector<16xf32>,
      %mul3A_93 = arith.constant 8 : i32
      %mul3A_94 = arith.muli %scan3A_52, %mul3A_93 : i32
      %add3A_95 = arith.constant 5 : i32
      %add3A_96 = arith.addi %mul3A_94, %add3A_95 : i32
      %mul3A_97 = arith.constant 16 : i32
      %mul3A_98 = arith.muli %add3A_96, %mul3A_97 : i32
      %get3A_99 = arith.index_cast %mul3A_98 : i32 to index
      %get3A_100 = tpu.vector_load %arg6[%get3A_99] {strides = array<i32>} : memref<5000xi32, #tpu.memory_space<vmem>>, vector<16xi32>,
      tpu.vector_store_idx %arg8[%get3A_100], %broadcast_in_dim3A_13 {add = true} : memref<10240xf32, #tpu.memory_space<vmem>>[vector<16xi32>], vector<16xf32>,
      %mul3A_101 = arith.constant 8 : i32
      %mul3A_102 = arith.muli %scan3A_52, %mul3A_101 : i32
      %add3A_103 = arith.constant 6 : i32
      %add3A_104 = arith.addi %mul3A_102, %add3A_103 : i32
      %mul3A_105 = arith.constant 16 : i32
      %mul3A_106 = arith.muli %add3A_104, %mul3A_105 : i32
      %get3A_107 = arith.index_cast %mul3A_106 : i32 to index
      %get3A_108 = tpu.vector_load %arg6[%get3A_107] {strides = array<i32>} : memref<5000xi32, #tpu.memory_space<vmem>>, vector<16xi32>,
      tpu.vector_store_idx %arg8[%get3A_108], %broadcast_in_dim3A_13 {add = true} : memref<10240xf32, #tpu.memory_space<vmem>>[vector<16xi32>], vector<16xf32>,
      %mul3A_109 = arith.constant 8 : i32
      %mul3A_110 = arith.muli %scan3A_52, %mul3A_109 : i32
      %add3A_111 = arith.constant 7 : i32
      %add3A_112 = arith.addi %mul3A_110, %add3A_111 : i32
      %mul3A_113 = arith.constant 16 : i32
      %mul3A_114 = arith.muli %add3A_112, %mul3A_113 : i32
      %get3A_115 = arith.index_cast %mul3A_114 : i32 to index
      %get3A_116 = tpu.vector_load %arg6[%get3A_115] {strides = array<i32>} : memref<5000xi32, #tpu.memory_space<vmem>>, vector<16xi32>,
      tpu.vector_store_idx %arg8[%get3A_116], %broadcast_in_dim3A_13 {add = true} : memref<10240xf32, #tpu.memory_space<vmem>>[vector<16xi32>], vector<16xf32>,
    }
    %scan3A_38 = arith.constant 39 : i32
    %get3A_39 = arith.constant 4984 : index
    %get3A_40 = tpu.vector_load %arg6[%get3A_39] {strides = array<i32>} : memref<5000xi32, #tpu.memory_space<vmem>>, vector<16xi32>,
    %iota3A_41 = tpu.iota {dimensions = array<i32: 0>} : vector<16xi32>
    %ge3A_42 = arith.constant 8 : i32
    %ge3A_43 = vector.broadcast %ge3A_42 : i32 to vector<16xi32>
    %ge3A_44 = arith.cmpi sge, %iota3A_41, %ge3A_43 : vector<16xi32>
    tpu.vector_store_idx %arg8[%get3A_40], %broadcast_in_dim3A_13 masked %ge3A_44 {add = true} : memref<10240xf32, #tpu.memory_space<vmem>>[vector<16xi32>], vector<16xf32>, vector<16xi1>
    %dma_wait3A_45 = arith.constant 0 : i32
    %dma_wait3A_46 = arith.constant 0 : i32
    %dma_wait3A_47 = tpu.memref_slice %arg4[%dma_wait3A_45, %add3A, %dma_wait3A_46] : memref<2x32x10240xf32, #tpu.memory_space<hbm>> -> memref<1x1x10240xf32, #tpu.memory_space<hbm>>
    %dma_wait3A_48 = tpu.memref_squeeze %dma_wait3A_47 : memref<1x1x10240xf32, #tpu.memory_space<hbm>> -> memref<10240xf32, #tpu.memory_space<hbm>>
    %dma_wait3A_49 = arith.constant 0 : i32
    %dma_wait3A_50 = tpu.memref_slice %arg4[%dma_wait3A_45, %add3A, %dma_wait3A_49] : memref<2x32x10240xf32, #tpu.memory_space<hbm>> -> memref<1x1x10240xf32, #tpu.memory_space<hbm>>
    %dma_wait3A_51 = tpu.memref_squeeze %dma_wait3A_50 : memref<1x1x10240xf32, #tpu.memory_space<hbm>> -> memref<10240xf32, #tpu.memory_space<hbm>>
    tpu.wait_dma2 semaphore(%arg11 : memref<!tpu.dma_semaphore, #tpu.memory_space<semaphore_mem>>) src(%arg7 : memref<10240xf32, #tpu.memory_space<vmem>>) dst(%dma_wait3A_51 : memref<10240xf32, #tpu.memory_space<hbm>>)
    %run_scoped3A = arith.constant 1 : i32
    "tpu.region"() ({
      %run_scoped3A_52 = tpu.sem_alloc : memref<!tpu.dma_semaphore, #tpu.memory_space<semaphore_mem>>
      %dma_start3A_53 = arith.constant 0 : i32
      %dma_start3A_54 = tpu.memref_slice %arg4[%run_scoped3A, %add3A, %dma_start3A_53] : memref<2x32x10240xf32, #tpu.memory_space<hbm>> -> memref<1x1x10240xf32, #tpu.memory_space<hbm>>
      %dma_start3A_55 = tpu.memref_squeeze %dma_start3A_54 : memref<1x1x10240xf32, #tpu.memory_space<hbm>> -> memref<10240xf32, #tpu.memory_space<hbm>>
      %dma_start3A_56 = arith.constant 0 : i32
      %dma_start3A_57 = tpu.memref_slice %arg4[%run_scoped3A, %add3A, %dma_start3A_56] : memref<2x32x10240xf32, #tpu.memory_space<hbm>> -> memref<1x1x10240xf32, #tpu.memory_space<hbm>>
      %dma_start3A_58 = tpu.memref_squeeze %dma_start3A_57 : memref<1x1x10240xf32, #tpu.memory_space<hbm>> -> memref<10240xf32, #tpu.memory_space<hbm>>
      tpu.enqueue_dma source(%arg8 : memref<10240xf32, #tpu.memory_space<vmem>>) target(%dma_start3A_58 : memref<10240xf32, #tpu.memory_space<hbm>>) target_semaphore(%run_scoped3A_52 : memref<!tpu.dma_semaphore, #tpu.memory_space<semaphore_mem>>)
      %dma_wait3A_59 = arith.constant 0 : i32
      %dma_wait3A_60 = tpu.memref_slice %arg4[%run_scoped3A, %add3A, %dma_wait3A_59] : memref<2x32x10240xf32, #tpu.memory_space<hbm>> -> memref<1x1x10240xf32, #tpu.memory_space<hbm>>
      %dma_wait3A_61 = tpu.memref_squeeze %dma_wait3A_60 : memref<1x1x10240xf32, #tpu.memory_space<hbm>> -> memref<10240xf32, #tpu.memory_space<hbm>>
      %dma_wait3A_62 = arith.constant 0 : i32
      %dma_wait3A_63 = tpu.memref_slice %arg4[%run_scoped3A, %add3A, %dma_wait3A_62] : memref<2x32x10240xf32, #tpu.memory_space<hbm>> -> memref<1x1x10240xf32, #tpu.memory_space<hbm>>
      %dma_wait3A_64 = tpu.memref_squeeze %dma_wait3A_63 : memref<1x1x10240xf32, #tpu.memory_space<hbm>> -> memref<10240xf32, #tpu.memory_space<hbm>>
      tpu.wait_dma2 semaphore(%run_scoped3A_52 : memref<!tpu.dma_semaphore, #tpu.memory_space<semaphore_mem>>) src(%arg8 : memref<10240xf32, #tpu.memory_space<vmem>>) dst(%dma_wait3A_64 : memref<10240xf32, #tpu.memory_space<hbm>>)
      tpu.yield
    }) : () -> ()
    return
  }
}

module attributes {stable_mosaic.version = 14 : i64} {
  func.func @_tc_body(%arg0: i32, %arg1: memref<64x2560xf32, #tpu.memory_space<vmem>>, %arg2: memref<2560x128xf32, #tpu.memory_space<vmem>>, %arg3: memref<128x128xf32, #tpu.memory_space<vmem>>, %arg4: memref<128x128xf32, #tpu.memory_space<vmem>>, %arg5: memref<256x128xf32, #tpu.memory_space<vmem>>, %arg6: memref<1x128xf32, #tpu.memory_space<vmem>>, %arg7: memref<1x128xf32, #tpu.memory_space<vmem>>, %arg8: memref<1x128xf32, #tpu.memory_space<vmem>>, %arg9: memref<2560x128xf32, #tpu.memory_space<vmem>>) attributes {dimension_semantics = [#tpu.dimension_semantics<arbitrary>], iteration_bounds = array<i64: 4>, scalar_prefetch = 0 : i64, scratch_operands = 0 : i64, tpu.core_type = #tpu.core_type<tc>, window_params = [{transform_indices = @transform_0, window_bounds = array<i64: 64, 2560>}, {transform_indices = @transform_1, window_bounds = array<i64: 2560, 128>}, {pipeline_mode = #tpu.pipeline_mode<synchronous>, transform_indices = @transform_2, window_bounds = array<i64: 128, 128>}, {pipeline_mode = #tpu.pipeline_mode<synchronous>, transform_indices = @transform_3, window_bounds = array<i64: 128, 128>}, {pipeline_mode = #tpu.pipeline_mode<synchronous>, transform_indices = @transform_4, window_bounds = array<i64: 256, 128>}, {pipeline_mode = #tpu.pipeline_mode<synchronous>, transform_indices = @transform_5, window_bounds = array<i64: 1, 128>}, {pipeline_mode = #tpu.pipeline_mode<synchronous>, transform_indices = @transform_6, window_bounds = array<i64: 1, 128>}, {pipeline_mode = #tpu.pipeline_mode<synchronous>, transform_indices = @transform_7, window_bounds = array<i64: 1, 128>}, {transform_indices = @transform_8, window_bounds = array<i64: 2560, 128>}]} {
    %get3A = arith.constant 0 : index
    %get3A_0 = arith.constant 0 : index
    %get3A_1 = vector.load %arg2[%get3A, %get3A_0] : memref<2560x128xf32, #tpu.memory_space<vmem>>, vector<2560x128xf32>
    %get3A_2 = arith.constant 128 : index
    %get3A_3 = arith.constant 0 : index
    %get3A_4 = vector.load %arg5[%get3A_2, %get3A_3] : memref<256x128xf32, #tpu.memory_space<vmem>>, vector<128x128xf32>
    %get3A_5 = arith.constant 0 : index
    %get3A_6 = arith.constant 0 : index
    %get3A_7 = vector.load %arg3[%get3A_5, %get3A_6] : memref<128x128xf32, #tpu.memory_space<vmem>>, vector<128x128xf32>
    %dot_general3A = arith.constant dense<0.000000e+00> : vector<128x128xf32>
    %dot_general3A_8 = tpu.matmul %get3A_7, %get3A_4, %dot_general3A {dimension_numbers = #tpu.dot_dimension_numbers<[1], [0], [0], [1], [0, 0, 1, 1], [], []>, precision = #tpu.contract_precision<fp32>, transpose_lhs_hint = false} : vector<128x128xf32>, vector<128x128xf32>, vector<128x128xf32> -> vector<128x128xf32>
    %add3A = arith.addf %get3A_4, %dot_general3A_8 : vector<128x128xf32>
    %get3A_9 = arith.constant 0 : index
    %get3A_10 = arith.constant 0 : index
    %get3A_11 = vector.load %arg4[%get3A_9, %get3A_10] : memref<128x128xf32, #tpu.memory_space<vmem>>, vector<128x128xf32>
    %dot_general3A_12 = arith.constant dense<0.000000e+00> : vector<128x128xf32>
    %dot_general3A_13 = tpu.matmul %get3A_11, %get3A_4, %dot_general3A_12 {dimension_numbers = #tpu.dot_dimension_numbers<[1], [0], [0], [1], [0, 0, 1, 1], [], []>, precision = #tpu.contract_precision<fp32>, transpose_lhs_hint = false} : vector<128x128xf32>, vector<128x128xf32>, vector<128x128xf32> -> vector<128x128xf32>
    %add3A_14 = arith.addf %get3A_4, %dot_general3A_13 : vector<128x128xf32>
    %dot_general3A_15 = arith.constant dense<0.000000e+00> : vector<2560x128xf32>
    %dot_general3A_16 = tpu.matmul %get3A_1, %add3A, %dot_general3A_15 {dimension_numbers = #tpu.dot_dimension_numbers<[1], [0], [0], [1], [0, 0, 1, 1], [], []>, transpose_lhs_hint = false} : vector<2560x128xf32>, vector<128x128xf32>, vector<2560x128xf32> -> vector<2560x128xf32>
    %get3A_17 = arith.constant 0 : index
    %get3A_18 = arith.constant 0 : index
    %get3A_19 = vector.load %arg6[%get3A_17, %get3A_18] : memref<1x128xf32, #tpu.memory_space<vmem>>, vector<1x128xf32>
    %dot_general3A_20 = arith.constant dense<0.000000e+00> : vector<1x128xf32>
    %dot_general3A_21 = tpu.matmul %get3A_19, %get3A_4, %dot_general3A_20 {dimension_numbers = #tpu.dot_dimension_numbers<[1], [0], [0], [1], [0, 0, 1, 1], [], []>, transpose_lhs_hint = false} : vector<1x128xf32>, vector<128x128xf32>, vector<1x128xf32> -> vector<1x128xf32>
    %add3A_22 = vector.broadcast %dot_general3A_21 : vector<1x128xf32> to vector<2560x128xf32>
    %add3A_23 = arith.addf %dot_general3A_16, %add3A_22 : vector<2560x128xf32>
    %dot_general3A_24 = arith.constant dense<0.000000e+00> : vector<2560x128xf32>
    %dot_general3A_25 = tpu.matmul %get3A_1, %add3A_14, %dot_general3A_24 {dimension_numbers = #tpu.dot_dimension_numbers<[1], [0], [0], [1], [0, 0, 1, 1], [], []>, transpose_lhs_hint = false} : vector<2560x128xf32>, vector<128x128xf32>, vector<2560x128xf32> -> vector<2560x128xf32>
    %get3A_26 = arith.constant 0 : index
    %get3A_27 = arith.constant 0 : index
    %get3A_28 = vector.load %arg7[%get3A_26, %get3A_27] : memref<1x128xf32, #tpu.memory_space<vmem>>, vector<1x128xf32>
    %dot_general3A_29 = arith.constant dense<0.000000e+00> : vector<1x128xf32>
    %dot_general3A_30 = tpu.matmul %get3A_28, %get3A_4, %dot_general3A_29 {dimension_numbers = #tpu.dot_dimension_numbers<[1], [0], [0], [1], [0, 0, 1, 1], [], []>, transpose_lhs_hint = false} : vector<1x128xf32>, vector<128x128xf32>, vector<1x128xf32> -> vector<1x128xf32>
    %add3A_31 = vector.broadcast %dot_general3A_30 : vector<1x128xf32> to vector<2560x128xf32>
    %add3A_32 = arith.addf %dot_general3A_25, %add3A_31 : vector<2560x128xf32>
    %get3A_33 = arith.constant 0 : index
    %get3A_34 = arith.constant 0 : index
    %get3A_35 = vector.load %arg1[%get3A_33, %get3A_34] : memref<64x2560xf32, #tpu.memory_space<vmem>>, vector<64x2560xf32>
    %slice3A = vector.extract_strided_slice %get3A_35 {offsets = [0, 0], sizes = [32, 2560], strides = [1, 1]} : vector<64x2560xf32> to vector<32x2560xf32>
    %reduce_sum3A = arith.constant dense<0.000000e+00> : vector<2560xf32>
    %reduce_sum3A_36 = vector.multi_reduction <add>, %slice3A, %reduce_sum3A [0] : vector<32x2560xf32> to vector<2560xf32>
    %broadcast_in_dim3A = vector.shape_cast %reduce_sum3A_36 : vector<2560xf32> to vector<2560x1xf32>
    %slice3A_37 = vector.extract_strided_slice %get3A_35 {offsets = [32, 0], sizes = [32, 2560], strides = [1, 1]} : vector<64x2560xf32> to vector<32x2560xf32>
    %reduce_sum3A_38 = arith.constant dense<0.000000e+00> : vector<2560xf32>
    %reduce_sum3A_39 = vector.multi_reduction <add>, %slice3A_37, %reduce_sum3A_38 [0] : vector<32x2560xf32> to vector<2560xf32>
    %broadcast_in_dim3A_40 = vector.shape_cast %reduce_sum3A_39 : vector<2560xf32> to vector<2560x1xf32>
    %get3A_41 = arith.constant 0 : index
    %get3A_42 = arith.constant 0 : index
    %get3A_43 = vector.load %arg5[%get3A_41, %get3A_42] : memref<256x128xf32, #tpu.memory_space<vmem>>, vector<128x128xf32>
    %dot_general3A_44 = arith.constant dense<0.000000e+00> : vector<2560x128xf32>
    %dot_general3A_45 = tpu.matmul %get3A_1, %get3A_43, %dot_general3A_44 {dimension_numbers = #tpu.dot_dimension_numbers<[1], [0], [0], [1], [0, 0, 1, 1], [], []>, transpose_lhs_hint = false} : vector<2560x128xf32>, vector<128x128xf32>, vector<2560x128xf32> -> vector<2560x128xf32>
    %mul3A = vector.broadcast %broadcast_in_dim3A : vector<2560x1xf32> to vector<2560x128xf32>
    %mul3A_46 = arith.mulf %mul3A, %add3A_23 : vector<2560x128xf32>
    %add3A_47 = arith.addf %dot_general3A_45, %mul3A_46 : vector<2560x128xf32>
    %mul3A_48 = vector.broadcast %broadcast_in_dim3A_40 : vector<2560x1xf32> to vector<2560x128xf32>
    %mul3A_49 = arith.mulf %mul3A_48, %add3A_32 : vector<2560x128xf32>
    %add3A_50 = arith.addf %add3A_47, %mul3A_49 : vector<2560x128xf32>
    %get3A_51 = arith.constant 0 : index
    %get3A_52 = arith.constant 0 : index
    %get3A_53 = vector.load %arg8[%get3A_51, %get3A_52] : memref<1x128xf32, #tpu.memory_space<vmem>>, vector<1x128xf32>
    %add3A_54 = vector.broadcast %get3A_53 : vector<1x128xf32> to vector<2560x128xf32>
    %add3A_55 = arith.addf %add3A_50, %add3A_54 : vector<2560x128xf32>
    %max3A = arith.constant 0.000000e+00 : f32
    %max3A_56 = vector.broadcast %max3A : f32 to vector<2560x128xf32>
    %max3A_57 = arith.maximumf %add3A_55, %max3A_56 : vector<2560x128xf32>
    %swap3A = arith.constant 0 : index
    %swap3A_58 = arith.constant 0 : index
    %swap3A_59 = vector.load %arg9[%swap3A, %swap3A_58] : memref<2560x128xf32, #tpu.memory_space<vmem>>, vector<2560x128xf32>
    tpu.vector_store %arg9[%swap3A, %swap3A_58], %max3A_57 {strides = array<i32>} : memref<2560x128xf32, #tpu.memory_space<vmem>>, vector<2560x128xf32>,
    return
  }
  func.func @transform_0(%arg0: i32) -> (i32, i32) {
    %c0_i32 = arith.constant 0 : i32
    %c0_i32_0 = arith.constant 0 : i32
    return %c0_i32, %arg0 : i32, i32
  }
  func.func @transform_1(%arg0: i32) -> (i32, i32) {
    %c0_i32 = arith.constant 0 : i32
    %c0_i32_0 = arith.constant 0 : i32
    return %arg0, %c0_i32 : i32, i32
  }
  func.func @transform_2(%arg0: i32) -> (i32, i32) {
    %c0_i32 = arith.constant 0 : i32
    %c0_i32_0 = arith.constant 0 : i32
    %c0_i32_1 = arith.constant 0 : i32
    return %c0_i32, %c0_i32_0 : i32, i32
  }
  func.func @transform_3(%arg0: i32) -> (i32, i32) {
    %c0_i32 = arith.constant 0 : i32
    %c0_i32_0 = arith.constant 0 : i32
    %c0_i32_1 = arith.constant 0 : i32
    return %c0_i32, %c0_i32_0 : i32, i32
  }
  func.func @transform_4(%arg0: i32) -> (i32, i32) {
    %c0_i32 = arith.constant 0 : i32
    %c0_i32_0 = arith.constant 0 : i32
    %c0_i32_1 = arith.constant 0 : i32
    return %c0_i32, %c0_i32_0 : i32, i32
  }
  func.func @transform_5(%arg0: i32) -> (i32, i32) {
    %c0_i32 = arith.constant 0 : i32
    %c0_i32_0 = arith.constant 0 : i32
    %c0_i32_1 = arith.constant 0 : i32
    return %c0_i32, %c0_i32_0 : i32, i32
  }
  func.func @transform_6(%arg0: i32) -> (i32, i32) {
    %c0_i32 = arith.constant 0 : i32
    %c0_i32_0 = arith.constant 0 : i32
    %c0_i32_1 = arith.constant 0 : i32
    return %c0_i32, %c0_i32_0 : i32, i32
  }
  func.func @transform_7(%arg0: i32) -> (i32, i32) {
    %c0_i32 = arith.constant 0 : i32
    %c0_i32_0 = arith.constant 0 : i32
    %c0_i32_1 = arith.constant 0 : i32
    return %c0_i32, %c0_i32_0 : i32, i32
  }
  func.func @transform_8(%arg0: i32) -> (i32, i32) {
    %c0_i32 = arith.constant 0 : i32
    %c0_i32_0 = arith.constant 0 : i32
    return %arg0, %c0_i32 : i32, i32
  }
}

</mosaic_0001>

<sc_bundles>
// kernel: kernel.4.cloned.1.call-start
scs
__scs_entry_jumppad:
0x0: {  	(pc) =	sbr.rel $0x88, $3  }
0x1: {  	(tag) =	ssettag $0x0;
	lr =	simm.s32 $0x1  }
0x2: {  	[smem:$0x3F98] =	sst lr;
	_ =	strace $0xD0000000  }
0x3: {  	_ = 	snop  }
0x4: {  	_ = 	snop  }
0x5: {  	_ = 	snop  }
0x6: {  	_ = 	snop  }
0x7: {  	_ = 	snop  }
__scs_overlays_trampoline_lowered:
0x8: {  	[smem:$0x3FA7] =	sst s0  }
0x9: {  	[smem:$0x3FA8] =	sst s1  }
0xa: {  	[smem:$0x3FA9] =	sst s2  }
0xb: {  	[smem:$0x3FAA] =	sst s3  }
0xc: {  	[smem:$0x3FAB] =	sst s4  }
0xd: {  	[smem:$0x3FAC] =	sst s5  }
0xe: {  	[smem:$0x3FAD] =	sst s6  }
0xf: {  	[smem:$0x3FAE] =	sst s7  }
0x10: {  	[smem:$0x3FAF] =	sst s8  }
0x11: {  	[smem:$0x3FB0] =	sst s9;
	s0 =	simm.s32 @!p0 $0x0  }
0x12: {  	s1 =	sld [smem:$0x3F96];
	s0 =	simm.s32 @p0 $0x1  }
0x13: {  	[smem:$0x3FB1] =	sst s0;
	s0 =	simm.s32 @!p1 $0x0  }
0x14: {  	s2 =	sld [smem:$0x3F95];
	s0 =	simm.s32 @p1 $0x1  }
0x15: {  	[smem:$0x3FB2] =	sst s0;
	s0 =	simm.s32 @!p2 $0x0  }
0x16: {  	s3 =	sld [smem:$0x3FDB];
	s0 =	simm.s32 @p2 $0x1  }
0x17: {  	s4 =	simm.s32 $0x1BF5;
	[smem:$0x3FB4] =	sst s0  }
0x18: {  	s0 =	sld [smem:$0x3F97];
	_ =	swait.ge [sflag:s4], $0x0  }
0x19: {  	s7 =	sld [smem:$0x3F98]  }
0x1a: {  	s8 =	sadd.s32 $0xFFFFE003, lr  }
0x1b: {  	s9 =	sadd.s32 $0xFFFFFEF7, lr;
	s5 =	simm.s32 $0xFFFFFFFF;
	p2 =	slt.u32 s8, $0xFFFFF086  }
0x1c: {  	p1 =	slt.u32 s9, $0xF7A;
	s5 =	simm.s32 @!p2 $0x0  }
0x1d: {  	s5 =	simm.s32 @p1 $0x1;
	p0 =	seq.s32 s7, s2  }
0x1e: {  	s7 =	smul.u32 @!p0 $0xF7A, s2;
	p2 =	seq.s32 @!p0 s5, $0x0  }
0x1f: {  	s9 =	smul.u32 $0xF7A, s1;
	s8 =	simm.s32 @!p0 $0x1BF5;
	p2 =	por !p2, p0  }
0x20: {  	[sflag:s8] =	ssyncset.s32 @!p0 $0xFFFFF086;
	s6 =	sadd.s32 @!p0 s3, s7;
	s7 =	simm.s32 @!p0 $0x108  }
0x21: {  	s3 =	sadd.s32 s3, s9;
	s6 =	sadd.s32 @!p0 $0x88, s6;
	s7 =	simm.s32 @p2 $0x1082  }
0x22: {  	[simem:s7], [sflag:s8] =	dma.local @!p0 [hbm:s6], $0xF7A  }
0x23: {  	s9 =	sor.u32 $0xD0000000, s2;
	s6 =	simm.s32 $0x108;
	_ =	swait.ge @!p0 [sflag:s8], $0x0  }
0x24: {  	s3 =	sadd.s32 $0x88, s3;
	s6 =	simm.s32 @!p1 $0x1082;
	[sflag:s4] =	ssyncset.s32 $0xFFFFF086  }
0x25: {  	[simem:s6], [sflag:s4] =	dma.local [hbm:s3], $0xF7A  }
0x26: {  	[smem:$0x3F98] =	sst s1;
	(tag) =	ssettag s2;
	_ =	strace s9  }
0x27: {  	s1 =	sld [smem:$0x3FA8]  }
0x28: {  	s2 =	sld [smem:$0x3FA9]  }
0x29: {  	s4 =	sld [smem:$0x3FAB]  }
0x2a: {  	p0 =	seq.s32 s5, $0x0;
	s5 =	sld [smem:$0x3FAC]  }
0x2b: {  	s6 =	sld [smem:$0x3FAD]  }
0x2c: {  	s7 =	sld [smem:$0x3FAE]  }
0x2d: {  	s3 =	simm.s32 $0x108;
	s8 =	sld [smem:$0x3FAF]  }
0x2e: {  	s3 =	simm.s32 @!p0 $0x1082;
	s9 =	sld [smem:$0x3FB0]  }
0x2f: {  	lr =	sadd.s32 s0, s3;
	s0 =	sld [smem:$0x3FA7]  }
0x30: {  	s3 =	sld [smem:$0x3FAA]  }
0x31: {  	[smem:$0x3FB3] =	sst s10  }
0x32: {  	s10 =	sld [smem:$0x3FB1];
	_ =	sdelay $0x3  }
0x33: {  	p0 =	seq.s32 s10, $0x1;
	s10 =	sld [smem:$0x3FB3];
	_ =	sdelay $0x3  }
0x34: {  	[smem:$0x3FB3] =	sst s10  }
0x35: {  	s10 =	sld [smem:$0x3FB2];
	_ =	sdelay $0x3  }
0x36: {  	p1 =	seq.s32 s10, $0x1;
	s10 =	sld [smem:$0x3FB3];
	_ =	sdelay $0x3  }
0x37: {  	[smem:$0x3FB3] =	sst s10  }
0x38: {  	s10 =	sld [smem:$0x3FB4]  }
0x39: {  	_ = 	snop;
	(pc) =	sbr.ind lr, $3  }
0x3a: {  	_ = 	snop  }
0x3b: {  	_ = 	snop  }
0x3c: {  	p2 =	seq.s32 s10, $0x1;
	s10 =	sld [smem:$0x3FB3]  }
0x3d: {  	_ =	shalt  }
0x3e: {  	_ =	shalt  }
0x3f: {  	_ =	shalt  }
0x40: {  	_ =	shalt  }
0x41: {  	_ =	shalt  }
0x42: {  	_ =	shalt  }
0x43: {  	_ =	shalt  }
0x44: {  	_ =	shalt  }
0x45: {  	_ =	shalt  }
0x46: {  	_ =	shalt  }
0x47: {  	_ =	shalt  }
0x48: {  	_ =	shalt  }
0x49: {  	_ =	shalt  }
0x4a: {  	_ =	shalt  }
0x4b: {  	_ =	shalt  }
0x4c: {  	_ =	shalt  }
0x4d: {  	_ =	shalt  }
0x4e: {  	_ =	shalt  }
0x4f: {  	_ =	shalt  }
0x50: {  	_ =	shalt  }
0x51: {  	_ =	shalt  }
0x52: {  	_ =	shalt  }
0x53: {  	_ =	shalt  }
0x54: {  	_ =	shalt  }
0x55: {  	_ =	shalt  }
0x56: {  	_ =	shalt  }
0x57: {  	_ =	shalt  }
0x58: {  	_ =	shalt  }
0x59: {  	_ =	shalt  }
0x5a: {  	_ =	shalt  }
0x5b: {  	_ =	shalt  }
0x5c: {  	_ =	shalt  }
0x5d: {  	_ =	shalt  }
0x5e: {  	_ =	shalt  }
0x5f: {  	_ =	shalt  }
0x60: {  	_ =	shalt  }
0x61: {  	_ =	shalt  }
0x62: {  	_ =	shalt  }
0x63: {  	_ =	shalt  }
0x64: {  	_ =	shalt  }
0x65: {  	_ =	shalt  }
0x66: {  	_ =	shalt  }
0x67: {  	_ =	shalt  }
0x68: {  	_ =	shalt  }
0x69: {  	_ =	shalt  }
0x6a: {  	_ =	shalt  }
0x6b: {  	_ =	shalt  }
0x6c: {  	_ =	shalt  }
0x6d: {  	_ =	shalt  }
0x6e: {  	_ =	shalt  }
0x6f: {  	_ =	shalt  }
0x70: {  	_ =	shalt  }
0x71: {  	_ =	shalt  }
0x72: {  	_ =	shalt  }
0x73: {  	_ =	shalt  }
0x74: {  	_ =	shalt  }
0x75: {  	_ =	shalt  }
0x76: {  	_ =	shalt  }
0x77: {  	_ =	shalt  }
0x78: {  	_ =	shalt  }
0x79: {  	_ =	shalt  }
0x7a: {  	_ =	shalt  }
0x7b: {  	_ =	shalt  }
0x7c: {  	_ =	shalt  }
0x7d: {  	_ =	shalt  }
0x7e: {  	_ =	shalt  }
0x7f: {  	_ =	shalt  }
0x80: {  	_ =	shalt  }
0x81: {  	_ =	shalt  }
0x82: {  	_ =	shalt  }
0x83: {  	_ =	shalt  }
0x84: {  	_ =	shalt  }
0x85: {  	_ =	shalt  }
0x86: {  	_ =	shalt  }
0x87: {  	_ =	shalt  }
.Lfunc_end0:
.L_simem_size_0:
called_computation_lowered:
.L_overlay_start_0:
0x88: {  	s2 =	sld [smem:$0x3FD9]  }
0x89: {  	s3 =	sld [smem:$0x3FFE];
	_ =	sdelay $0x1  }
0x8a: {  	s1 =	srdreg.scid  }
0x8b: {  	s0 =	sand.u32 $0x1, s1  }
0x8c: {  	s18 =	sshll.u32 s0, $0xA;
	s2 =	sadd.s32 s3, s2  }
0x8d: {  	s2 =	sadd.s32 s2, s18  }
0x8e: {  	[smem:$0x3FBF] =	sst s2  }
0x8f: {  	_ = 	snop  }
0x90: {  	s2 =	sld [smem:$0x3FC8]  }
0x91: {  	s19 =	sld [smem:$0x3FC7]  }
0x92: {  	s4 =	sld [smem:$0x3FD0];
	(tm) =	ssettm $0x1  }
0x93: {  	s5 =	sld [smem:$0x3FFB];
	_ =	sdelay $0x3  }
0x94: {  	_ =	strace s5  }
0x95: {  	s5 =	sld [smem:$0x3FFC];
	_ =	sdelay $0x3  }
0x96: {  	_ =	strace s5  }
0x97: {  	s5 =	sld [smem:$0x3FFD];
	_ =	sdelay $0x3  }
0x98: {  	_ =	strace s5  }
0x99: {  	_ =	strace $0x8FFFFFFF  }
0x9a: {  	s20 =	sld [smem:$0x3FDB];
	_ =	sdelay $0x1  }
0x9b: {  	s6 =	simm.s32 $_scs_section_size  }
0x9c: {  	s7 =	simm.s32 $_size__tile_overlayer_lowered;
	s8 =	simm.s32 $_tile_overlayer_lowered  }
0x9d: {  	s23 =	simm.s32 $0x1BFF;
	s22 =	sshll.u32 s8, $0x1;
	s5 =	sadd.s32 s6, s20  }
0x9e: {  	s9 =	simm.s32 $0x0;
	s21 =	sshll.u32 s7, $0x1;
	s7 =	sadd.s32 s22, s5  }
0x9f: {  	[timem:s9], [sflag:s23] =	dma.local [hbm:s7], s21  }
0xa0: {  	_ =	swait.ge [sflag:s23], s21  }
0xa1: {  	s6 =	ssub.s32 $0x0, s21;
	[sflag:s23] =	ssyncset.done $0x0  }
0xa2: {  	[sflag:s23] =	ssyncadd.s32 s6;
	_ =	sdelay $0x1  }
0xa3: {  	s24 =	simm.s32 $0x1B8B  }
0xa4: {  	_ =	swait.ge [sflag:s24], $0x1  }
0xa5: {  	[sflag:s24] =	ssyncset.done $0x0  }
0xa6: {  	s25 =	simm.s32 $0x1B8E;
	[sflag:s24] =	ssyncadd.s32 $0xFFFFFFFF  }
0xa7: {  	s26 =	simm.s32 $execute0_lowered;
	[smem:$0x3FD2] =	sst s25  }
0xa8: {  	s6 =	sshll.u32 s26, $0x1;
	_ =	strace $0x80000046;
	[dreg:$0x1] =	wrdreg $0xFFFFFFFF  }
0xa9: {  	s28 =	simm.s32 $_size_execute0_lowered;
	s5 =	sadd.s32 s5, s6;
	[dreg:$0x0] =	wrdreg $0x0  }
0xaa: {  	s6 =	sshll.u32 s28, $0x1;
	[dreg:$0x2] =	wrdreg s5  }
0xab: {  	[dreg:$0x3] =	wrdreg s6  }
0xac: {  	[dreg:$0x4] =	wrdreg $0xC0  }
0xad: {  	_ =	task [dreg:s9], $0x5FFFF  }
0xae: {  	[dreg:$0x1] =	wrdreg $0xFFFFFFFF  }
0xaf: {  	[dreg:$0x0] =	wrdreg $0x60  }
0xb0: {  	[dreg:$0x2] =	wrdreg s2  }
0xb1: {  	[dreg:$0x3] =	wrdreg s19  }
0xb2: {  	[dreg:$0x4] =	wrdreg s4  }
0xb3: {  	[dreg:$0x5] =	wrdreg $0x9  }
0xb4: {  	_ =	task.clear_ibuf [dreg:s9], $0x6FFFF;
	_ =	strace $0x90000046  }
0xb5: {  	s29 =	simm.s32 $0x9;
	_ =	strace $0x80000048  }
0xb6: {  	_ =	swait.ge [sflag:s29], $0x1  }
0xb7: {  	[sflag:s29] =	ssyncadd.s32 $0xFFFFFFFF  }
0xb8: {  	_ =	strace $0x90000048  }
0xb9: {  	_ =	sfence  }
0xba: {  	s30 =	sld [smem:$0x0];
	_ =	sdelay $0x2  }
0xbb: {  	s31 =	sshll.u32 s1, $0xD;
	s1 =	sshrl.u32 s1, $0x2  }
0xbc: {  	s3 =	sand.u32 $0x4000, s31;
	s1 =	sadd.s32 s1, s30  }
0xbd: {  	s0 =	sor.u32 s3, s0;
	s1 =	sshll.u32 s1, $0x11  }
0xbe: {  	s0 =	sor.u32 s1, s0  }
0xbf: {  	s0 =	sadd.s32 $0x8F2B, s0  }
0xc0: {  	[sflag:s0] =	ssyncadd.remote.s32 $0x1  }
0xc1: {  	_ =	sfence.sel $0xFFFF  }
0xc2: {  	[dreg:$0x0] =	wrdreg $0xFFFFFFFF;
	(pc) =	sbr.abs _section_cstart, $3  }
0xc3: {  	[dreg:$0x1] =	wrdreg $0xFFFFFFFF  }
0xc4: {  	_ =	task.clear_ibuf [dreg:s9], $0x2FFFF;
	_ =	strace $0x9FFFFFFF  }
0xc5: {  	(tm) =	ssettm $0x7FFFFFFF  }
tec
execute0_lowered:
.L_overlay_start_1:
0x0: {  	(tag) =	ssettag $0x1  }
0x1: {  	s3 =	rddreg [dreg:$0x0]  }
0x2: {  	s4 =	rddreg [dreg:$0x1]  }
0x3: {  	s6 =	rddreg [dreg:$0x2]  }
0x4: {  	s0 =	rddreg [dreg:$0x3]  }
0x5: {  	s5 =	srdreg.scid;
	s1 =	stileid.u32  }
0x6: {  	s2 =	simm.s32 $0x0;
	s11 =	simm.s32 $0x80;
	s12 =	simm.s32 $0x400  }
0x7: {  	s13 =	simm.s32 $0x2;
	s14 =	simm.s32 $0x5000;
	s15 =	simm.s32 $0x3  }
0x8: {  	s16 =	simm.s32 $0x4;
	s17 =	simm.s32 $0x0;
	s5 =	sand.u32 $0x1, s5  }
0x9: {  	s7 =	sshll.u32 s1, $0x1;
	[smem:$0x7FF] =	sst s2;
	s8 =	sshrl.u32 s1, $0x2  }
0xa: {  	s7 =	sor.u32 s5, s7;
	s5 =	ssub.s32 $0x2, s5;
	s8 =	smul.u32 $0x14000, s8  }
0xb: {  	s9 =	sshll.u32 s7, $0x7;
	s10 =	sshrl.u32 s5, $0x1;
	s7 =	smul.u32 $0x271, s7  }
0xc: {  	_ =	strace $0x80000047;
	s9 =	sand.u32 $0x380, s9;
	s10 =	ssub.s32 s5, s10  }
0xd: {  	s30 =	sor.u32 s8, s9;
	s3 =	sadd.s32 s3, s7;
	s4 =	sadd.s32 s4, s7  }
0xe: {  	s7 =	smax.u32 s10, $0x1;
	s8 =	sshrl.u32 s30, $0x3;
	s9 =	sadd.s32 $0x50000, s30  }
0xf: {  	s10 =	simm.s32 $0x2800;
	s5 =	sadd.s32 s6, s8;
	s31 =	sshrl.u32 s9, $0x3  }
0x10: {  	v0 =	vimm.f32 $0.0e+00;
	v1 =	vimm.f32 $1.000000000e+00;
	vm0 =	vcmask $0x3F20;
	s8 =	simm.s32 $0x1400;
	s9 =	simm.s32 $0x1;
	s6 =	sadd.s32 s6, s31  }
.LBB2_1:
0x11: {  	[tilespmem:s2], [sflag:$0x1] =	stream.linear.gather [hbm4b:s3+s2], $0x1388, $0x38;
	[tilespmem:$0x7800] =	vst v63  }
0x12: {  	s18 =	simm.s32 $0x0;
	s19 =	simm.s32 $0x200  }
0x13: {  	[tilespmem:s8], [sflag:$0x2] =	stream.linear.gather [hbm4b:s4+s2], $0x1388, $0x38;
	[tilespmem:$0x7800] =	vst v63  }
.LBB2_2:
0x14: {  	p0 =	sne.s32 s19, $0x9E00;
	[tilespmem:s18+$0x5070] =	vst v0  }
0x15: {  	[tilespmem:s18+$0x2800] =	vst v0  }
0x16: {  	[tilespmem:s18+$0x5000] =	vst v0  }
0x17: {  	[tilespmem:s18+$0x2810] =	vst v0  }
0x18: {  	[tilespmem:s18+$0x5010] =	vst v0  }
0x19: {  	[tilespmem:s18+$0x2820] =	vst v0  }
0x1a: {  	[tilespmem:s18+$0x5020] =	vst v0  }
0x1b: {  	[tilespmem:s18+$0x2830] =	vst v0  }
0x1c: {  	[tilespmem:s18+$0x5030] =	vst v0  }
0x1d: {  	[tilespmem:s18+$0x2840] =	vst v0  }
0x1e: {  	[tilespmem:s18+$0x5040] =	vst v0  }
.Ltmp0:
0x1f: {  	[tilespmem:s18+$0x2850] =	vst v0;
	(pc) =	sbr.rel @p0 .LBB2_2-.Ltmp0, $4  }
0x20: {  	[tilespmem:s18+$0x5050] =	vst v0  }
0x21: {  	[tilespmem:s18+$0x2860] =	vst v0  }
0x22: {  	[tilespmem:s18+$0x5060] =	vst v0  }
0x23: {  	[tilespmem:s18+$0x2870] =	vst v0;
	s18 =	sshra.s32 s19, $0x2;
	s19 =	sadd.s32 $0x200, s19  }
0x24: {  	[tilespmem:s18+$0x5070] =	vst v0  }
0x25: {  	[tilespmem:s18+$0x2800] =	vst v0  }
0x26: {  	[tilespmem:s18+$0x5000] =	vst v0  }
0x27: {  	[tilespmem:s18+$0x2810] =	vst v0  }
0x28: {  	[tilespmem:s18+$0x5010] =	vst v0  }
0x29: {  	[tilespmem:s18+$0x2820] =	vst v0  }
0x2a: {  	[tilespmem:s18+$0x5020] =	vst v0  }
0x2b: {  	[tilespmem:s18+$0x2830] =	vst v0  }
0x2c: {  	[tilespmem:s18+$0x5030] =	vst v0  }
0x2d: {  	[tilespmem:s18+$0x2840] =	vst v0  }
0x2e: {  	[tilespmem:s18+$0x5040] =	vst v0  }
0x2f: {  	[tilespmem:s18+$0x2850] =	vst v0  }
0x30: {  	[tilespmem:s18+$0x5050] =	vst v0  }
0x31: {  	[tilespmem:s18+$0x2860] =	vst v0  }
0x32: {  	[tilespmem:s18+$0x5060] =	vst v0  }
0x33: {  	[tilespmem:s18+$0x2870] =	vst v0  }
0x34: {  	_ =	swait.ge [sflag:s9], $0x1388  }
0x35: {  	[sflag:s9] =	ssyncset.done $0x0  }
0x36: {  	s18 =	simm.s32 $0x0;
	[sflag:s9] =	ssyncadd.s32 $0xFFFFEC78  }
.LBB2_4:
0x37: {  	s19 =	sshra.s32 s18, $0x2  }
0x38: {  	v2 =	vld [tilespmem:s19+$0x0];
	_ =	sdelay $0x7  }
0x39: {  	[tilespmem:v2+s10+$0x0] =	vst.idx.add.f32.msk $0xffff, v1  }
0x3a: {  	v2 =	vld [tilespmem:s19+$0x10];
	_ =	sdelay $0x7  }
0x3b: {  	[tilespmem:v2+s10+$0x0] =	vst.idx.add.f32.msk $0xffff, v1  }
0x3c: {  	v2 =	vld [tilespmem:s19+$0x20];
	_ =	sdelay $0x7  }
0x3d: {  	[tilespmem:v2+s10+$0x0] =	vst.idx.add.f32.msk $0xffff, v1  }
0x3e: {  	v2 =	vld [tilespmem:s19+$0x30];
	_ =	sdelay $0x7  }
0x3f: {  	[tilespmem:v2+s10+$0x0] =	vst.idx.add.f32.msk $0xffff, v1  }
0x40: {  	v2 =	vld [tilespmem:s19+$0x40];
	_ =	sdelay $0x7  }
0x41: {  	[tilespmem:v2+s10+$0x0] =	vst.idx.add.f32.msk $0xffff, v1  }
0x42: {  	v2 =	vld [tilespmem:s19+$0x50];
	_ =	sdelay $0x7  }
0x43: {  	[tilespmem:v2+s10+$0x0] =	vst.idx.add.f32.msk $0xffff, v1  }
0x44: {  	v2 =	vld [tilespmem:s19+$0x60];
	_ =	sdelay $0x7  }
0x45: {  	[tilespmem:v2+s10+$0x0] =	vst.idx.add.f32.msk $0xffff, v1  }
0x46: {  	v2 =	vld [tilespmem:s19+$0x70];
	_ =	sdelay $0x2  }
0x47: {  	p0 =	sne.s32 s18, $0x4C00  }
.Ltmp1:
0x48: {  	_ = 	snop;
	(pc) =	sbr.rel @p0 .LBB2_4-.Ltmp1, $2  }
0x49: {  	_ =	sdelay $0x2  }
0x4a: {  	s18 =	sadd.s32 $0x200, s18;
	[tilespmem:v2+s10+$0x0] =	vst.idx.add.f32.msk $0xffff, v1  }
0x4b: {  	v2 =	vld [tilespmem:$0x1378];
	_ =	sdelay $0x7  }
0x4c: {  	[tilespmem:v2+s10+$0x0] =	vst.idx.add.f32.msk vm0, v1  }
0x4d: {  	[hbm4b:s5+s11] =	stream.strided.scatter [tilespmem:s10], [sflag:$0x3], $0x2800, s12, s11, $0x38;
	[tilespmem:$0x7800] =	vst v63  }
0x4e: {  	_ =	swait.ge [sflag:s13], $0x1388  }
0x4f: {  	[sflag:s13] =	ssyncset.done $0x0  }
0x50: {  	s18 =	simm.s32 $0x0;
	[sflag:s13] =	ssyncadd.s32 $0xFFFFEC78  }
.LBB2_6:
0x51: {  	s19 =	sshra.s32 s18, $0x2  }
0x52: {  	v2 =	vld [tilespmem:s19+$0x1400];
	_ =	sdelay $0x7  }
0x53: {  	[tilespmem:v2+s14+$0x0] =	vst.idx.add.f32.msk $0xffff, v1  }
0x54: {  	v2 =	vld [tilespmem:s19+$0x1410];
	_ =	sdelay $0x7  }
0x55: {  	[tilespmem:v2+s14+$0x0] =	vst.idx.add.f32.msk $0xffff, v1  }
0x56: {  	v2 =	vld [tilespmem:s19+$0x1420];
	_ =	sdelay $0x7  }
0x57: {  	[tilespmem:v2+s14+$0x0] =	vst.idx.add.f32.msk $0xffff, v1  }
0x58: {  	v2 =	vld [tilespmem:s19+$0x1430];
	_ =	sdelay $0x7  }
0x59: {  	[tilespmem:v2+s14+$0x0] =	vst.idx.add.f32.msk $0xffff, v1  }
0x5a: {  	v2 =	vld [tilespmem:s19+$0x1440];
	_ =	sdelay $0x7  }
0x5b: {  	[tilespmem:v2+s14+$0x0] =	vst.idx.add.f32.msk $0xffff, v1  }
0x5c: {  	v2 =	vld [tilespmem:s19+$0x1450];
	_ =	sdelay $0x7  }
0x5d: {  	[tilespmem:v2+s14+$0x0] =	vst.idx.add.f32.msk $0xffff, v1  }
0x5e: {  	v2 =	vld [tilespmem:s19+$0x1460];
	_ =	sdelay $0x7  }
0x5f: {  	[tilespmem:v2+s14+$0x0] =	vst.idx.add.f32.msk $0xffff, v1  }
0x60: {  	v2 =	vld [tilespmem:s19+$0x1470];
	_ =	sdelay $0x2  }
0x61: {  	p0 =	sne.s32 s18, $0x4C00  }
.Ltmp2:
0x62: {  	_ = 	snop;
	(pc) =	sbr.rel @p0 .LBB2_6-.Ltmp2, $2  }
0x63: {  	_ =	sdelay $0x2  }
0x64: {  	s18 =	sadd.s32 $0x200, s18;
	[tilespmem:v2+s14+$0x0] =	vst.idx.add.f32.msk $0xffff, v1  }
0x65: {  	v2 =	vld [tilespmem:$0x2778];
	_ =	sdelay $0x7  }
0x66: {  	[tilespmem:v2+s14+$0x0] =	vst.idx.add.f32.msk vm0, v1  }
0x67: {  	s17 =	sadd.s32 $0x1, s17;
	_ =	swait.ge [sflag:s15], $0x2800  }
0x68: {  	p0 =	sne.s32 s17, s7;
	[sflag:s15] =	ssyncset.done $0x0  }
.Ltmp3:
0x69: {  	[sflag:s15] =	ssyncadd.s32 $0xFFFFD800;
	(pc) =	sbr.rel @p0 .LBB2_1-.Ltmp3, $4  }
0x6a: {  	[hbm4b:s6+s11] =	stream.strided.scatter [tilespmem:s14], [sflag:$0x4], $0x2800, s12, s11, $0x38;
	[tilespmem:$0x7800] =	vst v63  }
0x6b: {  	_ =	swait.ge [sflag:s16], $0x2800  }
0x6c: {  	[sflag:s16] =	ssyncset.done $0x0  }
0x6d: {  	[sflag:s16] =	ssyncadd.s32 $0xFFFFD800  }
0x6e: {  	_ =	sfence.sel $0x180000  }
0x6f: {  	[bflag:$0x0] =	sbarrier.arrive $0xFFFF  }
0x70: {  	p0 =	sne.s32 s1, $0x0;
	_ =	strace $0x90000047  }
0x71: {  	s0 =	sadd.s32 @!p0 $0x100000, s0;
	[bflag:$0x2] =	sbarrier.arrive $0xFFFF  }
0x72: {  	[sflag:s0] =	ssyncadd.tile.s32 @!p0 $0x1;
	_ =	shalt  }
.Lfunc_end2:
_tile_overlayer_lowered:
.L_overlay_start_2:
0x73: {  	(tag) =	ssettag $0x2  }
0x74: {  	s0 =	rddreg [dreg:$0x0];
	s2 =	stileid.u32  }
0x75: {  	s1 =	rddreg [dreg:$0x1];
	p0 =	sne.s32 s2, $0x0  }
0x76: {  	s3 =	rddreg [dreg:$0x2];
	[bflag:$0x3] =	sbarrier.arrive $0xFFFF;
	s2 =	simm.s32 @!p0 $0x1C04  }
0x77: {  	[timem:s3], [sflag:s2] =	dma.local @!p0 [hbm:s0], s1  }
0x78: {  	s0 =	simm.s32 @!p0 $0x4  }
0x79: {  	_ =	swait.ge @!p0 [sflag:s0], s1  }
0x7a: {  	s1 =	ssub.s32 @!p0 $0x0, s1;
	[sflag:s0] =	ssyncset.done @!p0 $0x0  }
0x7b: {  	[sflag:s0] =	ssyncadd.s32 @!p0 s1  }
0x7c: {  	[bflag:$0x3] =	sbarrier.arrive $0xFFFF  }
0x7d: {  	_ =	shalt  }

</sc_bundles>
